<compile_context>
chip_gen: v7x
topology: tpu7x:2x2x1
jax: 0.10.2.dev20260603
libtpu: 0.0.44.dev20260713+nightly
codegen_flags: <defaults>
</compile_context>

<pallas_src>
import functools
import math

import jax
import jax.numpy as jnp
from jax import lax
from jax.experimental import pallas as pl
from jax.experimental.pallas import tpu as pltpu
from jax.experimental.pallas import tpu_sc as plsc

_NW = 32


_SUP = 2


def _sc_gather(idx2d, table):
    nrows = idx2d.shape[0]
    d = table.shape[1]
    rows_w = nrows // _NW
    chb = 2 * _SUP
    nouter = rows_w // chb
    assert rows_w * _NW == nrows and nouter * chb == rows_w
    mesh = plsc.VectorSubcoreMesh(core_axis_name="c", subcore_axis_name="s")

    @functools.partial(
        pl.kernel,
        mesh=mesh,
        out_type=jax.ShapeDtypeStruct((nrows, 128, d), table.dtype),
        scratch_types=[
            pltpu.VMEM((128,), jnp.int32),
            pltpu.VMEM((128,), jnp.int32),
            pltpu.VMEM((128,), jnp.int32),
            pltpu.VMEM((128,), jnp.int32),
            pltpu.VMEM((chb, 128, d), table.dtype),
            pltpu.SemaphoreType.DMA,
        ],
    )
    def k(idx_hbm, table_hbm, out_hbm, i0, i1, i2, i3, rows_v, gsem):
        ibufs = (i0, i1, i2, i3)
        w = lax.axis_index("s") * 2 + lax.axis_index("c")

        def body(o, carry):
            c0 = chb * w + (_NW * chb) * o
            for t in range(chb):
                pltpu.sync_copy(idx_hbm.at[c0 + t], ibufs[t])
            hs = [
                pltpu.async_copy(table_hbm.at[ibufs[t]], rows_v.at[t], gsem)
                for t in range(chb)
            ]
            for h in hs:
                h.wait()
            pltpu.sync_copy(rows_v, out_hbm.at[pl.ds(c0, chb)])
            return carry

        lax.fori_loop(0, nouter, body, 0)

    return k(idx2d, table)


def _tc_linear(fflat, Wt, b2, E, tile):
    nb = E // tile
    out_f = Wt.shape[2]
    F = Wt.shape[1]

    def body(f0, f1, f2, f3, f4, wref, bref, oref):
        a0 = f0[...].astype(jnp.bfloat16)
        a1, a2, a3, a4 = f1[...], f2[...], f3[...], f4[...]
        cs = (
            a0,
            (a1 + a3).astype(jnp.bfloat16),
            (a2 + a4).astype(jnp.bfloat16),
            jnp.abs(a1 - a3).astype(jnp.bfloat16),
            jnp.abs(a2 - a4).astype(jnp.bfloat16),
        )
        acc = jnp.broadcast_to(bref[...].astype(jnp.float32), (tile, out_f))
        for i, c in enumerate(cs):
            acc += jax.lax.dot_general(
                c,
                wref[i],
                (((1,), (0,)), ((), ())),
                preferred_element_type=jnp.float32,
            )
        oref[...] = acc

    fspec = [
        pl.BlockSpec((tile, F), lambda i, k=k: (k * nb + i, 0)) for k in range(5)
    ]
    return pl.pallas_call(
        body,
        grid=(nb,),
        in_specs=fspec
        + [
            pl.BlockSpec((5, F, out_f), lambda i: (0, 0, 0)),
            pl.BlockSpec((1, out_f), lambda i: (0, 0)),
        ],
        out_specs=pl.BlockSpec((tile, out_f), lambda i: (i, 0)),
        out_shape=jax.ShapeDtypeStruct((E, out_f), jnp.float32),
    )(fflat, fflat, fflat, fflat, fflat, Wt, b2)


def kernel(x, edgemat, W, b):
    _, F, E, _ = x.shape
    K = edgemat.shape[2]
    out_f = W.shape[0]
    tile = 512
    xt = jnp.transpose(x[0, :, :, 0])
    idx2d = jnp.transpose(edgemat[0]).reshape(-1, 128)
    Wt = jnp.transpose(W.reshape(out_f, K, F), (1, 2, 0)).astype(jnp.bfloat16)
    b2 = b.reshape(1, -1)
    nrows = idx2d.shape[0]
    align = math.lcm(_NW * 2 * _SUP, tile // 128)
    npad = (nrows + align - 1) // align * align
    idx_pad = jnp.concatenate(
        [idx2d, jnp.zeros((npad - nrows, 128), jnp.int32)], axis=0
    )
    fg = _sc_gather(idx_pad, xt)
    y = _tc_linear(fg.reshape(npad * 128, F), Wt, b2, E, tile)
    return jnp.transpose(y)[None, :, :, None]

# --- scband reference (transcript-rebuilt; emitter-appended) ---
"""Pipeline reference for scband-mesh-conv-52261162058490 (READ-ONLY COPY).

The authoritative reference and input builder live on the scoring server;
editing this copy changes nothing except your own understanding.
"""

import jax, jax.numpy as jnp
import numpy as np

B, F, E, K, OUT = 1, 128, 320000, 5, 128

def setup_inputs(seed: int = 0) -> dict:
    key = jax.random.key(seed)
    k1, k2, k3 = jax.random.split(key, 3)
    x = jax.random.normal(k1, (B, F, E, 1), dtype=jnp.float32)
    # edgemat[b, e] = [self, nbr1, nbr2, nbr3, nbr4] edge indices (identity topo_edge_map)
    edgemat = jax.random.randint(k2, (B, E, K), 0, E, dtype=jnp.int32)
    # nn.Linear(5*in_channels, out_channels): W [OUT, 5F], b [OUT]
    W = (jax.random.normal(k3, (OUT, 5 * F), dtype=jnp.float32) * 0.02)
    b = jnp.zeros((OUT,), dtype=jnp.float32)
    return {"x": x, "edgemat": edgemat, "W": W, "b": b}

def reference(x, edgemat, W, b):
    # x: (B, F, E, 1) -> squeeze -> (B, F, E) -> transpose -> (B, E, F)
    xs = jnp.squeeze(x, -1)
    xt = jnp.transpose(xs, (0, 2, 1))
    # gather 1-ring: (B, E, 5, F)
    f = jax.vmap(lambda xx, em: jnp.take(xx, em, axis=0))(xt, edgemat)
    # transpose(2,1) in torch per-mesh: (B, E, F, 5)
    f = jnp.transpose(f, (0, 1, 3, 2))
    x1 = f[:, :, :, 1] + f[:, :, :, 3]
    x2 = f[:, :, :, 2] + f[:, :, :, 4]
    x3 = jnp.abs(f[:, :, :, 1] - f[:, :, :, 3])
    x4 = jnp.abs(f[:, :, :, 2] - f[:, :, :, 4])
    G = jnp.concatenate([f[:, :, :, 0], x1, x2, x3, x4], axis=2)  # (B, E, 5F)
    y = G @ W.T + b  # (B, E, OUT)
    # transpose(2,1).unsqueeze(3) -> (B, OUT, E, 1)
    return jnp.transpose(y, (0, 2, 1))[:, :, :, None]

if __name__ == "__main__":
    import jax
    _d = setup_inputs()
    print(jax.jit(kernel)(*tuple(_d.values())))

</pallas_src>

<mosaic_0001>
#map = affine_map<(d0, d1) -> (0, 0)>
#map1 = affine_map<(d0, d1) -> (0, 0, 0)>
module attributes {stable_mosaic.version = 14 : i64} {
  func.func @k(%arg0: i32, %arg1: i32, %arg2: memref<12544x128xi32, #tpu.memory_space<hbm>>, %arg3: memref<320000x128xf32, #tpu.memory_space<hbm>>, %arg4: memref<12544x128x128xf32, #tpu.memory_space<hbm>>, %arg5: memref<128xi32, #tpu.memory_space<vmem>>, %arg6: memref<128xi32, #tpu.memory_space<vmem>>, %arg7: memref<128xi32, #tpu.memory_space<vmem>>, %arg8: memref<128xi32, #tpu.memory_space<vmem>>, %arg9: memref<4x128x128xf32, #tpu.memory_space<vmem>>, %arg10: memref<!tpu.dma_semaphore, #tpu.memory_space<semaphore_mem>>) attributes {dimension_semantics = [#tpu.dimension_semantics<core_parallel>, #tpu.dimension_semantics<subcore_parallel>], iteration_bounds = array<i64: 2, 16>, scalar_prefetch = 0 : i64, scratch_operands = 6 : i64, tpu.core_type = #tpu.core_type<sc_vector_subcore>, window_params = [{transform_indices = #map}, {transform_indices = #map}, {transform_indices = #map1}]} {
    %mul3A = arith.constant 2 : i32
    %mul3A_0 = arith.muli %arg1, %mul3A : i32
    %add3A = arith.addi %mul3A_0, %arg0 : i32
    %scan3A = arith.constant 0 : i32
    %scan3A_1 = arith.constant 0 : i32
    %scan3A_2 = arith.constant 98 : i32
    %scan3A_3 = arith.addi %scan3A_1, %scan3A_2 : i32
    %scan3A_4 = arith.constant 1 : i32
    scf.for %scan3A_6 = %scan3A_1 to %scan3A_3 step %scan3A_4  : i32 {
      %mul3A_7 = arith.constant 4 : i32
      %mul3A_8 = arith.muli %mul3A_7, %add3A : i32
      %mul3A_9 = arith.constant 128 : i32
      %mul3A_10 = arith.muli %mul3A_9, %scan3A_6 : i32
      %add3A_11 = arith.addi %mul3A_8, %mul3A_10 : i32
      %add3A_12 = arith.constant 0 : i32
      %add3A_13 = arith.addi %add3A_11, %add3A_12 : i32
      "tpu.region"() ({
        %run_scoped3A = tpu.sem_alloc : memref<!tpu.dma_semaphore, #tpu.memory_space<semaphore_mem>>
        %dma_start3A_82 = arith.constant 0 : i32
        %dma_start3A_83 = tpu.memref_slice %arg2[%add3A_13, %dma_start3A_82] : memref<12544x128xi32, #tpu.memory_space<hbm>> -> memref<1x128xi32, #tpu.memory_space<hbm>>
        %dma_start3A_84 = tpu.memref_squeeze %dma_start3A_83 : memref<1x128xi32, #tpu.memory_space<hbm>> -> memref<128xi32, #tpu.memory_space<hbm>>
        %dma_start3A_85 = arith.constant 0 : i32
        %dma_start3A_86 = tpu.memref_slice %arg2[%add3A_13, %dma_start3A_85] : memref<12544x128xi32, #tpu.memory_space<hbm>> -> memref<1x128xi32, #tpu.memory_space<hbm>>
        %dma_start3A_87 = tpu.memref_squeeze %dma_start3A_86 : memref<1x128xi32, #tpu.memory_space<hbm>> -> memref<128xi32, #tpu.memory_space<hbm>>
        tpu.enqueue_dma source(%dma_start3A_87 : memref<128xi32, #tpu.memory_space<hbm>>) target(%arg5 : memref<128xi32, #tpu.memory_space<vmem>>) target_semaphore(%run_scoped3A : memref<!tpu.dma_semaphore, #tpu.memory_space<semaphore_mem>>)
        %dma_wait3A_88 = arith.constant 0 : i32
        %dma_wait3A_89 = tpu.memref_slice %arg2[%add3A_13, %dma_wait3A_88] : memref<12544x128xi32, #tpu.memory_space<hbm>> -> memref<1x128xi32, #tpu.memory_space<hbm>>
        %dma_wait3A_90 = tpu.memref_squeeze %dma_wait3A_89 : memref<1x128xi32, #tpu.memory_space<hbm>> -> memref<128xi32, #tpu.memory_space<hbm>>
        %dma_wait3A_91 = arith.constant 0 : i32
        %dma_wait3A_92 = tpu.memref_slice %arg2[%add3A_13, %dma_wait3A_91] : memref<12544x128xi32, #tpu.memory_space<hbm>> -> memref<1x128xi32, #tpu.memory_space<hbm>>
        %dma_wait3A_93 = tpu.memref_squeeze %dma_wait3A_92 : memref<1x128xi32, #tpu.memory_space<hbm>> -> memref<128xi32, #tpu.memory_space<hbm>>
        tpu.wait_dma2 semaphore(%run_scoped3A : memref<!tpu.dma_semaphore, #tpu.memory_space<semaphore_mem>>) src(%dma_wait3A_93 : memref<128xi32, #tpu.memory_space<hbm>>) dst(%arg5 : memref<128xi32, #tpu.memory_space<vmem>>)
        tpu.yield
      }) : () -> ()
      %add3A_14 = arith.constant 1 : i32
      %add3A_15 = arith.addi %add3A_11, %add3A_14 : i32
      "tpu.region"() ({
        %run_scoped3A = tpu.sem_alloc : memref<!tpu.dma_semaphore, #tpu.memory_space<semaphore_mem>>
        %dma_start3A_82 = arith.constant 0 : i32
        %dma_start3A_83 = tpu.memref_slice %arg2[%add3A_15, %dma_start3A_82] : memref<12544x128xi32, #tpu.memory_space<hbm>> -> memref<1x128xi32, #tpu.memory_space<hbm>>
        %dma_start3A_84 = tpu.memref_squeeze %dma_start3A_83 : memref<1x128xi32, #tpu.memory_space<hbm>> -> memref<128xi32, #tpu.memory_space<hbm>>
        %dma_start3A_85 = arith.constant 0 : i32
        %dma_start3A_86 = tpu.memref_slice %arg2[%add3A_15, %dma_start3A_85] : memref<12544x128xi32, #tpu.memory_space<hbm>> -> memref<1x128xi32, #tpu.memory_space<hbm>>
        %dma_start3A_87 = tpu.memref_squeeze %dma_start3A_86 : memref<1x128xi32, #tpu.memory_space<hbm>> -> memref<128xi32, #tpu.memory_space<hbm>>
        tpu.enqueue_dma source(%dma_start3A_87 : memref<128xi32, #tpu.memory_space<hbm>>) target(%arg6 : memref<128xi32, #tpu.memory_space<vmem>>) target_semaphore(%run_scoped3A : memref<!tpu.dma_semaphore, #tpu.memory_space<semaphore_mem>>)
        %dma_wait3A_88 = arith.constant 0 : i32
        %dma_wait3A_89 = tpu.memref_slice %arg2[%add3A_15, %dma_wait3A_88] : memref<12544x128xi32, #tpu.memory_space<hbm>> -> memref<1x128xi32, #tpu.memory_space<hbm>>
        %dma_wait3A_90 = tpu.memref_squeeze %dma_wait3A_89 : memref<1x128xi32, #tpu.memory_space<hbm>> -> memref<128xi32, #tpu.memory_space<hbm>>
        %dma_wait3A_91 = arith.constant 0 : i32
        %dma_wait3A_92 = tpu.memref_slice %arg2[%add3A_15, %dma_wait3A_91] : memref<12544x128xi32, #tpu.memory_space<hbm>> -> memref<1x128xi32, #tpu.memory_space<hbm>>
        %dma_wait3A_93 = tpu.memref_squeeze %dma_wait3A_92 : memref<1x128xi32, #tpu.memory_space<hbm>> -> memref<128xi32, #tpu.memory_space<hbm>>
        tpu.wait_dma2 semaphore(%run_scoped3A : memref<!tpu.dma_semaphore, #tpu.memory_space<semaphore_mem>>) src(%dma_wait3A_93 : memref<128xi32, #tpu.memory_space<hbm>>) dst(%arg6 : memref<128xi32, #tpu.memory_space<vmem>>)
        tpu.yield
      }) : () -> ()
      %add3A_16 = arith.constant 2 : i32
      %add3A_17 = arith.addi %add3A_11, %add3A_16 : i32
      "tpu.region"() ({
        %run_scoped3A = tpu.sem_alloc : memref<!tpu.dma_semaphore, #tpu.memory_space<semaphore_mem>>
        %dma_start3A_82 = arith.constant 0 : i32
        %dma_start3A_83 = tpu.memref_slice %arg2[%add3A_17, %dma_start3A_82] : memref<12544x128xi32, #tpu.memory_space<hbm>> -> memref<1x128xi32, #tpu.memory_space<hbm>>
        %dma_start3A_84 = tpu.memref_squeeze %dma_start3A_83 : memref<1x128xi32, #tpu.memory_space<hbm>> -> memref<128xi32, #tpu.memory_space<hbm>>
        %dma_start3A_85 = arith.constant 0 : i32
        %dma_start3A_86 = tpu.memref_slice %arg2[%add3A_17, %dma_start3A_85] : memref<12544x128xi32, #tpu.memory_space<hbm>> -> memref<1x128xi32, #tpu.memory_space<hbm>>
        %dma_start3A_87 = tpu.memref_squeeze %dma_start3A_86 : memref<1x128xi32, #tpu.memory_space<hbm>> -> memref<128xi32, #tpu.memory_space<hbm>>
        tpu.enqueue_dma source(%dma_start3A_87 : memref<128xi32, #tpu.memory_space<hbm>>) target(%arg7 : memref<128xi32, #tpu.memory_space<vmem>>) target_semaphore(%run_scoped3A : memref<!tpu.dma_semaphore, #tpu.memory_space<semaphore_mem>>)
        %dma_wait3A_88 = arith.constant 0 : i32
        %dma_wait3A_89 = tpu.memref_slice %arg2[%add3A_17, %dma_wait3A_88] : memref<12544x128xi32, #tpu.memory_space<hbm>> -> memref<1x128xi32, #tpu.memory_space<hbm>>
        %dma_wait3A_90 = tpu.memref_squeeze %dma_wait3A_89 : memref<1x128xi32, #tpu.memory_space<hbm>> -> memref<128xi32, #tpu.memory_space<hbm>>
        %dma_wait3A_91 = arith.constant 0 : i32
        %dma_wait3A_92 = tpu.memref_slice %arg2[%add3A_17, %dma_wait3A_91] : memref<12544x128xi32, #tpu.memory_space<hbm>> -> memref<1x128xi32, #tpu.memory_space<hbm>>
        %dma_wait3A_93 = tpu.memref_squeeze %dma_wait3A_92 : memref<1x128xi32, #tpu.memory_space<hbm>> -> memref<128xi32, #tpu.memory_space<hbm>>
        tpu.wait_dma2 semaphore(%run_scoped3A : memref<!tpu.dma_semaphore, #tpu.memory_space<semaphore_mem>>) src(%dma_wait3A_93 : memref<128xi32, #tpu.memory_space<hbm>>) dst(%arg7 : memref<128xi32, #tpu.memory_space<vmem>>)
        tpu.yield
      }) : () -> ()
      %add3A_18 = arith.constant 3 : i32
      %add3A_19 = arith.addi %add3A_11, %add3A_18 : i32
      "tpu.region"() ({
        %run_scoped3A = tpu.sem_alloc : memref<!tpu.dma_semaphore, #tpu.memory_space<semaphore_mem>>
        %dma_start3A_82 = arith.constant 0 : i32
        %dma_start3A_83 = tpu.memref_slice %arg2[%add3A_19, %dma_start3A_82] : memref<12544x128xi32, #tpu.memory_space<hbm>> -> memref<1x128xi32, #tpu.memory_space<hbm>>
        %dma_start3A_84 = tpu.memref_squeeze %dma_start3A_83 : memref<1x128xi32, #tpu.memory_space<hbm>> -> memref<128xi32, #tpu.memory_space<hbm>>
        %dma_start3A_85 = arith.constant 0 : i32
        %dma_start3A_86 = tpu.memref_slice %arg2[%add3A_19, %dma_start3A_85] : memref<12544x128xi32, #tpu.memory_space<hbm>> -> memref<1x128xi32, #tpu.memory_space<hbm>>
        %dma_start3A_87 = tpu.memref_squeeze %dma_start3A_86 : memref<1x128xi32, #tpu.memory_space<hbm>> -> memref<128xi32, #tpu.memory_space<hbm>>
        tpu.enqueue_dma source(%dma_start3A_87 : memref<128xi32, #tpu.memory_space<hbm>>) target(%arg8 : memref<128xi32, #tpu.memory_space<vmem>>) target_semaphore(%run_scoped3A : memref<!tpu.dma_semaphore, #tpu.memory_space<semaphore_mem>>)
        %dma_wait3A_88 = arith.constant 0 : i32
        %dma_wait3A_89 = tpu.memref_slice %arg2[%add3A_19, %dma_wait3A_88] : memref<12544x128xi32, #tpu.memory_space<hbm>> -> memref<1x128xi32, #tpu.memory_space<hbm>>
        %dma_wait3A_90 = tpu.memref_squeeze %dma_wait3A_89 : memref<1x128xi32, #tpu.memory_space<hbm>> -> memref<128xi32, #tpu.memory_space<hbm>>
        %dma_wait3A_91 = arith.constant 0 : i32
        %dma_wait3A_92 = tpu.memref_slice %arg2[%add3A_19, %dma_wait3A_91] : memref<12544x128xi32, #tpu.memory_space<hbm>> -> memref<1x128xi32, #tpu.memory_space<hbm>>
        %dma_wait3A_93 = tpu.memref_squeeze %dma_wait3A_92 : memref<1x128xi32, #tpu.memory_space<hbm>> -> memref<128xi32, #tpu.memory_space<hbm>>
        tpu.wait_dma2 semaphore(%run_scoped3A : memref<!tpu.dma_semaphore, #tpu.memory_space<semaphore_mem>>) src(%dma_wait3A_93 : memref<128xi32, #tpu.memory_space<hbm>>) dst(%arg8 : memref<128xi32, #tpu.memory_space<vmem>>)
        tpu.yield
      }) : () -> ()
      %dma_start3A = arith.constant 0 : i32
      %dma_start3A_20 = arith.constant 0 : i32
      %dma_start3A_21 = arith.constant 0 : i32
      %dma_start3A_22 = tpu.memref_slice %arg9[%dma_start3A, %dma_start3A_20, %dma_start3A_21] : memref<4x128x128xf32, #tpu.memory_space<vmem>> -> memref<1x128x128xf32, #tpu.memory_space<vmem>>
      %dma_start3A_23 = tpu.memref_squeeze %dma_start3A_22 : memref<1x128x128xf32, #tpu.memory_space<vmem>> -> memref<128x128xf32, #tpu.memory_space<vmem>>
      %dma_start3A_24 = arith.constant 0 : i32
      %dma_start3A_25 = arith.constant 0 : i32
      %dma_start3A_26 = tpu.memref_slice %arg3[%dma_start3A_24, %dma_start3A_25] : memref<320000x128xf32, #tpu.memory_space<hbm>> -> memref<320000x128xf32, #tpu.memory_space<hbm>>
      tpu.enqueue_indirect_dma source(%dma_start3A_26 : memref<320000x128xf32, #tpu.memory_space<hbm>>) target(%dma_start3A_23 : memref<128x128xf32, #tpu.memory_space<vmem>>) offsets(%arg5 : memref<128xi32, #tpu.memory_space<vmem>>) semaphore(%arg10 : memref<!tpu.dma_semaphore, #tpu.memory_space<semaphore_mem>>)
      %dma_start3A_27 = arith.constant 1 : i32
      %dma_start3A_28 = arith.constant 0 : i32
      %dma_start3A_29 = arith.constant 0 : i32
      %dma_start3A_30 = tpu.memref_slice %arg9[%dma_start3A_27, %dma_start3A_28, %dma_start3A_29] : memref<4x128x128xf32, #tpu.memory_space<vmem>> -> memref<1x128x128xf32, #tpu.memory_space<vmem>>
      %dma_start3A_31 = tpu.memref_squeeze %dma_start3A_30 : memref<1x128x128xf32, #tpu.memory_space<vmem>> -> memref<128x128xf32, #tpu.memory_space<vmem>>
      %dma_start3A_32 = arith.constant 0 : i32
      %dma_start3A_33 = arith.constant 0 : i32
      %dma_start3A_34 = tpu.memref_slice %arg3[%dma_start3A_32, %dma_start3A_33] : memref<320000x128xf32, #tpu.memory_space<hbm>> -> memref<320000x128xf32, #tpu.memory_space<hbm>>
      tpu.enqueue_indirect_dma source(%dma_start3A_34 : memref<320000x128xf32, #tpu.memory_space<hbm>>) target(%dma_start3A_31 : memref<128x128xf32, #tpu.memory_space<vmem>>) offsets(%arg6 : memref<128xi32, #tpu.memory_space<vmem>>) semaphore(%arg10 : memref<!tpu.dma_semaphore, #tpu.memory_space<semaphore_mem>>)
      %dma_start3A_35 = arith.constant 2 : i32
      %dma_start3A_36 = arith.constant 0 : i32
      %dma_start3A_37 = arith.constant 0 : i32
      %dma_start3A_38 = tpu.memref_slice %arg9[%dma_start3A_35, %dma_start3A_36, %dma_start3A_37] : memref<4x128x128xf32, #tpu.memory_space<vmem>> -> memref<1x128x128xf32, #tpu.memory_space<vmem>>
      %dma_start3A_39 = tpu.memref_squeeze %dma_start3A_38 : memref<1x128x128xf32, #tpu.memory_space<vmem>> -> memref<128x128xf32, #tpu.memory_space<vmem>>
      %dma_start3A_40 = arith.constant 0 : i32
      %dma_start3A_41 = arith.constant 0 : i32
      %dma_start3A_42 = tpu.memref_slice %arg3[%dma_start3A_40, %dma_start3A_41] : memref<320000x128xf32, #tpu.memory_space<hbm>> -> memref<320000x128xf32, #tpu.memory_space<hbm>>
      tpu.enqueue_indirect_dma source(%dma_start3A_42 : memref<320000x128xf32, #tpu.memory_space<hbm>>) target(%dma_start3A_39 : memref<128x128xf32, #tpu.memory_space<vmem>>) offsets(%arg7 : memref<128xi32, #tpu.memory_space<vmem>>) semaphore(%arg10 : memref<!tpu.dma_semaphore, #tpu.memory_space<semaphore_mem>>)
      %dma_start3A_43 = arith.constant 3 : i32
      %dma_start3A_44 = arith.constant 0 : i32
      %dma_start3A_45 = arith.constant 0 : i32
      %dma_start3A_46 = tpu.memref_slice %arg9[%dma_start3A_43, %dma_start3A_44, %dma_start3A_45] : memref<4x128x128xf32, #tpu.memory_space<vmem>> -> memref<1x128x128xf32, #tpu.memory_space<vmem>>
      %dma_start3A_47 = tpu.memref_squeeze %dma_start3A_46 : memref<1x128x128xf32, #tpu.memory_space<vmem>> -> memref<128x128xf32, #tpu.memory_space<vmem>>
      %dma_start3A_48 = arith.constant 0 : i32
      %dma_start3A_49 = arith.constant 0 : i32
      %dma_start3A_50 = tpu.memref_slice %arg3[%dma_start3A_48, %dma_start3A_49] : memref<320000x128xf32, #tpu.memory_space<hbm>> -> memref<320000x128xf32, #tpu.memory_space<hbm>>
      tpu.enqueue_indirect_dma source(%dma_start3A_50 : memref<320000x128xf32, #tpu.memory_space<hbm>>) target(%dma_start3A_47 : memref<128x128xf32, #tpu.memory_space<vmem>>) offsets(%arg8 : memref<128xi32, #tpu.memory_space<vmem>>) semaphore(%arg10 : memref<!tpu.dma_semaphore, #tpu.memory_space<semaphore_mem>>)
      %dma_wait3A = arith.constant 0 : i32
      %dma_wait3A_51 = arith.constant 0 : i32
      %dma_wait3A_52 = arith.constant 0 : i32
      %dma_wait3A_53 = tpu.memref_slice %arg9[%dma_wait3A, %dma_wait3A_51, %dma_wait3A_52] : memref<4x128x128xf32, #tpu.memory_space<vmem>> -> memref<1x128x128xf32, #tpu.memory_space<vmem>>
      %dma_wait3A_54 = tpu.memref_squeeze %dma_wait3A_53 : memref<1x128x128xf32, #tpu.memory_space<vmem>> -> memref<128x128xf32, #tpu.memory_space<vmem>>
      %dma_wait3A_55 = arith.constant 0 : i32
      %dma_wait3A_56 = arith.constant 0 : i32
      %dma_wait3A_57 = tpu.memref_slice %arg3[%dma_wait3A_55, %dma_wait3A_56] : memref<320000x128xf32, #tpu.memory_space<hbm>> -> memref<320000x128xf32, #tpu.memory_space<hbm>>
      tpu.wait_indirect_dma semaphore(%arg10 : memref<!tpu.dma_semaphore, #tpu.memory_space<semaphore_mem>>) src(%dma_wait3A_57 : memref<320000x128xf32, #tpu.memory_space<hbm>>) dst(%dma_wait3A_54 : memref<128x128xf32, #tpu.memory_space<vmem>>)
      %dma_wait3A_58 = arith.constant 1 : i32
      %dma_wait3A_59 = arith.constant 0 : i32
      %dma_wait3A_60 = arith.constant 0 : i32
      %dma_wait3A_61 = tpu.memref_slice %arg9[%dma_wait3A_58, %dma_wait3A_59, %dma_wait3A_60] : memref<4x128x128xf32, #tpu.memory_space<vmem>> -> memref<1x128x128xf32, #tpu.memory_space<vmem>>
      %dma_wait3A_62 = tpu.memref_squeeze %dma_wait3A_61 : memref<1x128x128xf32, #tpu.memory_space<vmem>> -> memref<128x128xf32, #tpu.memory_space<vmem>>
      %dma_wait3A_63 = arith.constant 0 : i32
      %dma_wait3A_64 = arith.constant 0 : i32
      %dma_wait3A_65 = tpu.memref_slice %arg3[%dma_wait3A_63, %dma_wait3A_64] : memref<320000x128xf32, #tpu.memory_space<hbm>> -> memref<320000x128xf32, #tpu.memory_space<hbm>>
      tpu.wait_indirect_dma semaphore(%arg10 : memref<!tpu.dma_semaphore, #tpu.memory_space<semaphore_mem>>) src(%dma_wait3A_65 : memref<320000x128xf32, #tpu.memory_space<hbm>>) dst(%dma_wait3A_62 : memref<128x128xf32, #tpu.memory_space<vmem>>)
      %dma_wait3A_66 = arith.constant 2 : i32
      %dma_wait3A_67 = arith.constant 0 : i32
      %dma_wait3A_68 = arith.constant 0 : i32
      %dma_wait3A_69 = tpu.memref_slice %arg9[%dma_wait3A_66, %dma_wait3A_67, %dma_wait3A_68] : memref<4x128x128xf32, #tpu.memory_space<vmem>> -> memref<1x128x128xf32, #tpu.memory_space<vmem>>
      %dma_wait3A_70 = tpu.memref_squeeze %dma_wait3A_69 : memref<1x128x128xf32, #tpu.memory_space<vmem>> -> memref<128x128xf32, #tpu.memory_space<vmem>>
      %dma_wait3A_71 = arith.constant 0 : i32
      %dma_wait3A_72 = arith.constant 0 : i32
      %dma_wait3A_73 = tpu.memref_slice %arg3[%dma_wait3A_71, %dma_wait3A_72] : memref<320000x128xf32, #tpu.memory_space<hbm>> -> memref<320000x128xf32, #tpu.memory_space<hbm>>
      tpu.wait_indirect_dma semaphore(%arg10 : memref<!tpu.dma_semaphore, #tpu.memory_space<semaphore_mem>>) src(%dma_wait3A_73 : memref<320000x128xf32, #tpu.memory_space<hbm>>) dst(%dma_wait3A_70 : memref<128x128xf32, #tpu.memory_space<vmem>>)
      %dma_wait3A_74 = arith.constant 3 : i32
      %dma_wait3A_75 = arith.constant 0 : i32
      %dma_wait3A_76 = arith.constant 0 : i32
      %dma_wait3A_77 = tpu.memref_slice %arg9[%dma_wait3A_74, %dma_wait3A_75, %dma_wait3A_76] : memref<4x128x128xf32, #tpu.memory_space<vmem>> -> memref<1x128x128xf32, #tpu.memory_space<vmem>>
      %dma_wait3A_78 = tpu.memref_squeeze %dma_wait3A_77 : memref<1x128x128xf32, #tpu.memory_space<vmem>> -> memref<128x128xf32, #tpu.memory_space<vmem>>
      %dma_wait3A_79 = arith.constant 0 : i32
      %dma_wait3A_80 = arith.constant 0 : i32
      %dma_wait3A_81 = tpu.memref_slice %arg3[%dma_wait3A_79, %dma_wait3A_80] : memref<320000x128xf32, #tpu.memory_space<hbm>> -> memref<320000x128xf32, #tpu.memory_space<hbm>>
      tpu.wait_indirect_dma semaphore(%arg10 : memref<!tpu.dma_semaphore, #tpu.memory_space<semaphore_mem>>) src(%dma_wait3A_81 : memref<320000x128xf32, #tpu.memory_space<hbm>>) dst(%dma_wait3A_78 : memref<128x128xf32, #tpu.memory_space<vmem>>)
      "tpu.region"() ({
        %run_scoped3A = tpu.sem_alloc : memref<!tpu.dma_semaphore, #tpu.memory_space<semaphore_mem>>
        %dma_start3A_82 = arith.constant 0 : i32
        %dma_start3A_83 = arith.constant 0 : i32
        %dma_start3A_84 = tpu.memref_slice %arg4[%add3A_11, %dma_start3A_82, %dma_start3A_83] : memref<12544x128x128xf32, #tpu.memory_space<hbm>> -> memref<4x128x128xf32, #tpu.memory_space<hbm>>
        %dma_start3A_85 = arith.constant 0 : i32
        %dma_start3A_86 = arith.constant 0 : i32
        %dma_start3A_87 = tpu.memref_slice %arg4[%add3A_11, %dma_start3A_85, %dma_start3A_86] : memref<12544x128x128xf32, #tpu.memory_space<hbm>> -> memref<4x128x128xf32, #tpu.memory_space<hbm>>
        tpu.enqueue_dma source(%arg9 : memref<4x128x128xf32, #tpu.memory_space<vmem>>) target(%dma_start3A_87 : memref<4x128x128xf32, #tpu.memory_space<hbm>>) target_semaphore(%run_scoped3A : memref<!tpu.dma_semaphore, #tpu.memory_space<semaphore_mem>>)
        %dma_wait3A_88 = arith.constant 0 : i32
        %dma_wait3A_89 = arith.constant 0 : i32
        %dma_wait3A_90 = tpu.memref_slice %arg4[%add3A_11, %dma_wait3A_88, %dma_wait3A_89] : memref<12544x128x128xf32, #tpu.memory_space<hbm>> -> memref<4x128x128xf32, #tpu.memory_space<hbm>>
        %dma_wait3A_91 = arith.constant 0 : i32
        %dma_wait3A_92 = arith.constant 0 : i32
        %dma_wait3A_93 = tpu.memref_slice %arg4[%add3A_11, %dma_wait3A_91, %dma_wait3A_92] : memref<12544x128x128xf32, #tpu.memory_space<hbm>> -> memref<4x128x128xf32, #tpu.memory_space<hbm>>
        tpu.wait_dma2 semaphore(%run_scoped3A : memref<!tpu.dma_semaphore, #tpu.memory_space<semaphore_mem>>) src(%arg9 : memref<4x128x128xf32, #tpu.memory_space<vmem>>) dst(%dma_wait3A_93 : memref<4x128x128xf32, #tpu.memory_space<hbm>>)
        tpu.yield
      }) : () -> ()
    }
    %scan3A_5 = arith.constant 98 : i32
    return
  }
}

module attributes {stable_mosaic.version = 14 : i64} {
  func.func @body(%arg0: i32, %arg1: memref<512x128xf32, #tpu.memory_space<vmem>>, %arg2: memref<512x128xf32, #tpu.memory_space<vmem>>, %arg3: memref<512x128xf32, #tpu.memory_space<vmem>>, %arg4: memref<512x128xf32, #tpu.memory_space<vmem>>, %arg5: memref<512x128xf32, #tpu.memory_space<vmem>>, %arg6: memref<5x128x128xbf16, #tpu.memory_space<vmem>>, %arg7: memref<1x128xf32, #tpu.memory_space<vmem>>, %arg8: memref<512x128xf32, #tpu.memory_space<vmem>>) attributes {dimension_semantics = [#tpu.dimension_semantics<arbitrary>], iteration_bounds = array<i64: 625>, scalar_prefetch = 0 : i64, scratch_operands = 0 : i64, tpu.core_type = #tpu.core_type<tc>, window_params = [{transform_indices = @transform_0, window_bounds = array<i64: 512, 128>}, {transform_indices = @transform_1, window_bounds = array<i64: 512, 128>}, {transform_indices = @transform_2, window_bounds = array<i64: 512, 128>}, {transform_indices = @transform_3, window_bounds = array<i64: 512, 128>}, {transform_indices = @transform_4, window_bounds = array<i64: 512, 128>}, {pipeline_mode = #tpu.pipeline_mode<synchronous>, transform_indices = @transform_5, window_bounds = array<i64: 5, 128, 128>}, {pipeline_mode = #tpu.pipeline_mode<synchronous>, transform_indices = @transform_6, window_bounds = array<i64: 1, 128>}, {transform_indices = @transform_7, window_bounds = array<i64: 512, 128>}]} {
    %get3A = arith.constant 0 : index
    %get3A_0 = arith.constant 0 : index
    %get3A_1 = vector.load %arg1[%get3A, %get3A_0] : memref<512x128xf32, #tpu.memory_space<vmem>>, vector<512x128xf32>
    %convert_element_type3A = arith.truncf %get3A_1 : vector<512x128xf32> to vector<512x128xbf16>
    %get3A_2 = arith.constant 0 : index
    %get3A_3 = arith.constant 0 : index
    %get3A_4 = vector.load %arg2[%get3A_2, %get3A_3] : memref<512x128xf32, #tpu.memory_space<vmem>>, vector<512x128xf32>
    %get3A_5 = arith.constant 0 : index
    %get3A_6 = arith.constant 0 : index
    %get3A_7 = vector.load %arg3[%get3A_5, %get3A_6] : memref<512x128xf32, #tpu.memory_space<vmem>>, vector<512x128xf32>
    %get3A_8 = arith.constant 0 : index
    %get3A_9 = arith.constant 0 : index
    %get3A_10 = vector.load %arg4[%get3A_8, %get3A_9] : memref<512x128xf32, #tpu.memory_space<vmem>>, vector<512x128xf32>
    %get3A_11 = arith.constant 0 : index
    %get3A_12 = arith.constant 0 : index
    %get3A_13 = vector.load %arg5[%get3A_11, %get3A_12] : memref<512x128xf32, #tpu.memory_space<vmem>>, vector<512x128xf32>
    %add3A = arith.addf %get3A_4, %get3A_10 : vector<512x128xf32>
    %convert_element_type3A_14 = arith.truncf %add3A : vector<512x128xf32> to vector<512x128xbf16>
    %add3A_15 = arith.addf %get3A_7, %get3A_13 : vector<512x128xf32>
    %convert_element_type3A_16 = arith.truncf %add3A_15 : vector<512x128xf32> to vector<512x128xbf16>
    %sub3A = arith.subf %get3A_4, %get3A_10 : vector<512x128xf32>
    %abs3A = math.absf %sub3A : vector<512x128xf32>
    %convert_element_type3A_17 = arith.truncf %abs3A : vector<512x128xf32> to vector<512x128xbf16>
    %sub3A_18 = arith.subf %get3A_7, %get3A_13 : vector<512x128xf32>
    %abs3A_19 = math.absf %sub3A_18 : vector<512x128xf32>
    %convert_element_type3A_20 = arith.truncf %abs3A_19 : vector<512x128xf32> to vector<512x128xbf16>
    %get3A_21 = arith.constant 0 : index
    %get3A_22 = arith.constant 0 : index
    %get3A_23 = vector.load %arg7[%get3A_21, %get3A_22] : memref<1x128xf32, #tpu.memory_space<vmem>>, vector<1x128xf32>
    %broadcast_in_dim3A = vector.shape_cast %get3A_23 : vector<1x128xf32> to vector<1x128xf32>
    %broadcast_in_dim3A_24 = vector.broadcast %broadcast_in_dim3A : vector<1x128xf32> to vector<512x128xf32>
    %get3A_25 = arith.constant 0 : index
    %get3A_26 = arith.constant 0 : index
    %get3A_27 = arith.constant 0 : index
    %get3A_28 = vector.load %arg6[%get3A_25, %get3A_26, %get3A_27] : memref<5x128x128xbf16, #tpu.memory_space<vmem>>, vector<1x128x128xbf16>
    %get3A_29 = vector.shape_cast %get3A_28 : vector<1x128x128xbf16> to vector<128x128xbf16>
    %dot_general3A = arith.constant dense<0.000000e+00> : vector<512x128xf32>
    %dot_general3A_30 = tpu.matmul %convert_element_type3A, %get3A_29, %dot_general3A {dimension_numbers = #tpu.dot_dimension_numbers<[1], [0], [0], [1], [0, 0, 1, 1], [], []>, transpose_lhs_hint = false} : vector<512x128xbf16>, vector<128x128xbf16>, vector<512x128xf32> -> vector<512x128xf32>
    %add3A_31 = arith.addf %broadcast_in_dim3A_24, %dot_general3A_30 : vector<512x128xf32>
    %get3A_32 = arith.constant 1 : index
    %get3A_33 = arith.constant 0 : index
    %get3A_34 = arith.constant 0 : index
    %get3A_35 = vector.load %arg6[%get3A_32, %get3A_33, %get3A_34] : memref<5x128x128xbf16, #tpu.memory_space<vmem>>, vector<1x128x128xbf16>
    %get3A_36 = vector.shape_cast %get3A_35 : vector<1x128x128xbf16> to vector<128x128xbf16>
    %dot_general3A_37 = arith.constant dense<0.000000e+00> : vector<512x128xf32>
    %dot_general3A_38 = tpu.matmul %convert_element_type3A_14, %get3A_36, %dot_general3A_37 {dimension_numbers = #tpu.dot_dimension_numbers<[1], [0], [0], [1], [0, 0, 1, 1], [], []>, transpose_lhs_hint = false} : vector<512x128xbf16>, vector<128x128xbf16>, vector<512x128xf32> -> vector<512x128xf32>
    %add3A_39 = arith.addf %add3A_31, %dot_general3A_38 : vector<512x128xf32>
    %get3A_40 = arith.constant 2 : index
    %get3A_41 = arith.constant 0 : index
    %get3A_42 = arith.constant 0 : index
    %get3A_43 = vector.load %arg6[%get3A_40, %get3A_41, %get3A_42] : memref<5x128x128xbf16, #tpu.memory_space<vmem>>, vector<1x128x128xbf16>
    %get3A_44 = vector.shape_cast %get3A_43 : vector<1x128x128xbf16> to vector<128x128xbf16>
    %dot_general3A_45 = arith.constant dense<0.000000e+00> : vector<512x128xf32>
    %dot_general3A_46 = tpu.matmul %convert_element_type3A_16, %get3A_44, %dot_general3A_45 {dimension_numbers = #tpu.dot_dimension_numbers<[1], [0], [0], [1], [0, 0, 1, 1], [], []>, transpose_lhs_hint = false} : vector<512x128xbf16>, vector<128x128xbf16>, vector<512x128xf32> -> vector<512x128xf32>
    %add3A_47 = arith.addf %add3A_39, %dot_general3A_46 : vector<512x128xf32>
    %get3A_48 = arith.constant 3 : index
    %get3A_49 = arith.constant 0 : index
    %get3A_50 = arith.constant 0 : index
    %get3A_51 = vector.load %arg6[%get3A_48, %get3A_49, %get3A_50] : memref<5x128x128xbf16, #tpu.memory_space<vmem>>, vector<1x128x128xbf16>
    %get3A_52 = vector.shape_cast %get3A_51 : vector<1x128x128xbf16> to vector<128x128xbf16>
    %dot_general3A_53 = arith.constant dense<0.000000e+00> : vector<512x128xf32>
    %dot_general3A_54 = tpu.matmul %convert_element_type3A_17, %get3A_52, %dot_general3A_53 {dimension_numbers = #tpu.dot_dimension_numbers<[1], [0], [0], [1], [0, 0, 1, 1], [], []>, transpose_lhs_hint = false} : vector<512x128xbf16>, vector<128x128xbf16>, vector<512x128xf32> -> vector<512x128xf32>
    %add3A_55 = arith.addf %add3A_47, %dot_general3A_54 : vector<512x128xf32>
    %get3A_56 = arith.constant 4 : index
    %get3A_57 = arith.constant 0 : index
    %get3A_58 = arith.constant 0 : index
    %get3A_59 = vector.load %arg6[%get3A_56, %get3A_57, %get3A_58] : memref<5x128x128xbf16, #tpu.memory_space<vmem>>, vector<1x128x128xbf16>
    %get3A_60 = vector.shape_cast %get3A_59 : vector<1x128x128xbf16> to vector<128x128xbf16>
    %dot_general3A_61 = arith.constant dense<0.000000e+00> : vector<512x128xf32>
    %dot_general3A_62 = tpu.matmul %convert_element_type3A_20, %get3A_60, %dot_general3A_61 {dimension_numbers = #tpu.dot_dimension_numbers<[1], [0], [0], [1], [0, 0, 1, 1], [], []>, transpose_lhs_hint = false} : vector<512x128xbf16>, vector<128x128xbf16>, vector<512x128xf32> -> vector<512x128xf32>
    %add3A_63 = arith.addf %add3A_55, %dot_general3A_62 : vector<512x128xf32>
    %swap3A = arith.constant 0 : index
    %swap3A_64 = arith.constant 0 : index
    %swap3A_65 = vector.load %arg8[%swap3A, %swap3A_64] : memref<512x128xf32, #tpu.memory_space<vmem>>, vector<512x128xf32>
    tpu.vector_store %arg8[%swap3A, %swap3A_64], %add3A_63 {strides = array<i32>} : memref<512x128xf32, #tpu.memory_space<vmem>>, vector<512x128xf32>,
    return
  }
  func.func @transform_0(%arg0: i32) -> (i32, i32) {
    %add3A = arith.constant 0 : i32
    %add3A_0 = arith.addi %add3A, %arg0 : i32
    %c0_i32 = arith.constant 0 : i32
    %c0_i32_1 = arith.constant 0 : i32
    return %add3A_0, %c0_i32 : i32, i32
  }
  func.func @transform_1(%arg0: i32) -> (i32, i32) {
    %add3A = arith.constant 625 : i32
    %add3A_0 = arith.addi %add3A, %arg0 : i32
    %c0_i32 = arith.constant 0 : i32
    %c0_i32_1 = arith.constant 0 : i32
    return %add3A_0, %c0_i32 : i32, i32
  }
  func.func @transform_2(%arg0: i32) -> (i32, i32) {
    %add3A = arith.constant 1250 : i32
    %add3A_0 = arith.addi %add3A, %arg0 : i32
    %c0_i32 = arith.constant 0 : i32
    %c0_i32_1 = arith.constant 0 : i32
    return %add3A_0, %c0_i32 : i32, i32
  }
  func.func @transform_3(%arg0: i32) -> (i32, i32) {
    %add3A = arith.constant 1875 : i32
    %add3A_0 = arith.addi %add3A, %arg0 : i32
    %c0_i32 = arith.constant 0 : i32
    %c0_i32_1 = arith.constant 0 : i32
    return %add3A_0, %c0_i32 : i32, i32
  }
  func.func @transform_4(%arg0: i32) -> (i32, i32) {
    %add3A = arith.constant 2500 : i32
    %add3A_0 = arith.addi %add3A, %arg0 : i32
    %c0_i32 = arith.constant 0 : i32
    %c0_i32_1 = arith.constant 0 : i32
    return %add3A_0, %c0_i32 : i32, i32
  }
  func.func @transform_5(%arg0: i32) -> (i32, i32, i32) {
    %c0_i32 = arith.constant 0 : i32
    %c0_i32_0 = arith.constant 0 : i32
    %c0_i32_1 = arith.constant 0 : i32
    %c0_i32_2 = arith.constant 0 : i32
    return %c0_i32, %c0_i32_0, %c0_i32_1 : i32, i32, i32
  }
  func.func @transform_6(%arg0: i32) -> (i32, i32) {
    %c0_i32 = arith.constant 0 : i32
    %c0_i32_0 = arith.constant 0 : i32
    %c0_i32_1 = arith.constant 0 : i32
    return %c0_i32, %c0_i32_0 : i32, i32
  }
  func.func @transform_7(%arg0: i32) -> (i32, i32) {
    %c0_i32 = arith.constant 0 : i32
    %c0_i32_0 = arith.constant 0 : i32
    return %arg0, %c0_i32 : i32, i32
  }
}

</mosaic_0001>

<sc_bundles>
// kernel: kernel.4.cloned.1.call-start
scs
__scs_entry_jumppad:
0x0: {  	(pc) =	sbr.rel $0x88, $3  }
0x1: {  	(tag) =	ssettag $0x0;
	lr =	simm.s32 $0x1  }
0x2: {  	[smem:$0x3F9D] =	sst lr;
	_ =	strace $0xD0000000  }
0x3: {  	_ = 	snop  }
0x4: {  	_ = 	snop  }
0x5: {  	_ = 	snop  }
0x6: {  	_ = 	snop  }
0x7: {  	_ = 	snop  }
__scs_overlays_trampoline_lowered:
0x8: {  	[smem:$0x3FAC] =	sst s0  }
0x9: {  	[smem:$0x3FAD] =	sst s1  }
0xa: {  	[smem:$0x3FAE] =	sst s2  }
0xb: {  	[smem:$0x3FAF] =	sst s3  }
0xc: {  	[smem:$0x3FB0] =	sst s4  }
0xd: {  	[smem:$0x3FB1] =	sst s5  }
0xe: {  	[smem:$0x3FB2] =	sst s6  }
0xf: {  	[smem:$0x3FB3] =	sst s7  }
0x10: {  	[smem:$0x3FB4] =	sst s8  }
0x11: {  	[smem:$0x3FB5] =	sst s9;
	s0 =	simm.s32 @!p0 $0x0  }
0x12: {  	s1 =	sld [smem:$0x3F9B];
	s0 =	simm.s32 @p0 $0x1  }
0x13: {  	[smem:$0x3FB6] =	sst s0;
	s0 =	simm.s32 @!p1 $0x0  }
0x14: {  	s2 =	sld [smem:$0x3F9A];
	s0 =	simm.s32 @p1 $0x1  }
0x15: {  	[smem:$0x3FB7] =	sst s0;
	s0 =	simm.s32 @!p2 $0x0  }
0x16: {  	s3 =	sld [smem:$0x3FDB];
	s0 =	simm.s32 @p2 $0x1  }
0x17: {  	s4 =	simm.s32 $0x1BF5;
	[smem:$0x3FB9] =	sst s0  }
0x18: {  	s0 =	sld [smem:$0x3F9C];
	_ =	swait.ge [sflag:s4], $0x0  }
0x19: {  	s7 =	sld [smem:$0x3F9D]  }
0x1a: {  	s8 =	sadd.s32 $0xFFFFE003, lr  }
0x1b: {  	s9 =	sadd.s32 $0xFFFFFEF7, lr;
	s5 =	simm.s32 $0xFFFFFFFF;
	p2 =	slt.u32 s8, $0xFFFFF086  }
0x1c: {  	p1 =	slt.u32 s9, $0xF7A;
	s5 =	simm.s32 @!p2 $0x0  }
0x1d: {  	s5 =	simm.s32 @p1 $0x1;
	p0 =	seq.s32 s7, s2  }
0x1e: {  	s7 =	smul.u32 @!p0 $0xF7A, s2;
	p2 =	seq.s32 @!p0 s5, $0x0  }
0x1f: {  	s9 =	smul.u32 $0xF7A, s1;
	s8 =	simm.s32 @!p0 $0x1BF5;
	p2 =	por !p2, p0  }
0x20: {  	[sflag:s8] =	ssyncset.s32 @!p0 $0xFFFFF086;
	s6 =	sadd.s32 @!p0 s3, s7;
	s7 =	simm.s32 @!p0 $0x108  }
0x21: {  	s3 =	sadd.s32 s3, s9;
	s6 =	sadd.s32 @!p0 $0x88, s6;
	s7 =	simm.s32 @p2 $0x1082  }
0x22: {  	[simem:s7], [sflag:s8] =	dma.local @!p0 [hbm:s6], $0xF7A  }
0x23: {  	s9 =	sor.u32 $0xD0000000, s2;
	s6 =	simm.s32 $0x108;
	_ =	swait.ge @!p0 [sflag:s8], $0x0  }
0x24: {  	s3 =	sadd.s32 $0x88, s3;
	s6 =	simm.s32 @!p1 $0x1082;
	[sflag:s4] =	ssyncset.s32 $0xFFFFF086  }
0x25: {  	[simem:s6], [sflag:s4] =	dma.local [hbm:s3], $0xF7A  }
0x26: {  	[smem:$0x3F9D] =	sst s1;
	(tag) =	ssettag s2;
	_ =	strace s9  }
0x27: {  	s1 =	sld [smem:$0x3FAD]  }
0x28: {  	s2 =	sld [smem:$0x3FAE]  }
0x29: {  	s4 =	sld [smem:$0x3FB0]  }
0x2a: {  	p0 =	seq.s32 s5, $0x0;
	s5 =	sld [smem:$0x3FB1]  }
0x2b: {  	s6 =	sld [smem:$0x3FB2]  }
0x2c: {  	s7 =	sld [smem:$0x3FB3]  }
0x2d: {  	s3 =	simm.s32 $0x108;
	s8 =	sld [smem:$0x3FB4]  }
0x2e: {  	s3 =	simm.s32 @!p0 $0x1082;
	s9 =	sld [smem:$0x3FB5]  }
0x2f: {  	lr =	sadd.s32 s0, s3;
	s0 =	sld [smem:$0x3FAC]  }
0x30: {  	s3 =	sld [smem:$0x3FAF]  }
0x31: {  	[smem:$0x3FB8] =	sst s10  }
0x32: {  	s10 =	sld [smem:$0x3FB6];
	_ =	sdelay $0x3  }
0x33: {  	p0 =	seq.s32 s10, $0x1;
	s10 =	sld [smem:$0x3FB8];
	_ =	sdelay $0x3  }
0x34: {  	[smem:$0x3FB8] =	sst s10  }
0x35: {  	s10 =	sld [smem:$0x3FB7];
	_ =	sdelay $0x3  }
0x36: {  	p1 =	seq.s32 s10, $0x1;
	s10 =	sld [smem:$0x3FB8];
	_ =	sdelay $0x3  }
0x37: {  	[smem:$0x3FB8] =	sst s10  }
0x38: {  	s10 =	sld [smem:$0x3FB9]  }
0x39: {  	_ = 	snop;
	(pc) =	sbr.ind lr, $3  }
0x3a: {  	_ = 	snop  }
0x3b: {  	_ = 	snop  }
0x3c: {  	p2 =	seq.s32 s10, $0x1;
	s10 =	sld [smem:$0x3FB8]  }
0x3d: {  	_ =	shalt  }
0x3e: {  	_ =	shalt  }
0x3f: {  	_ =	shalt  }
0x40: {  	_ =	shalt  }
0x41: {  	_ =	shalt  }
0x42: {  	_ =	shalt  }
0x43: {  	_ =	shalt  }
0x44: {  	_ =	shalt  }
0x45: {  	_ =	shalt  }
0x46: {  	_ =	shalt  }
0x47: {  	_ =	shalt  }
0x48: {  	_ =	shalt  }
0x49: {  	_ =	shalt  }
0x4a: {  	_ =	shalt  }
0x4b: {  	_ =	shalt  }
0x4c: {  	_ =	shalt  }
0x4d: {  	_ =	shalt  }
0x4e: {  	_ =	shalt  }
0x4f: {  	_ =	shalt  }
0x50: {  	_ =	shalt  }
0x51: {  	_ =	shalt  }
0x52: {  	_ =	shalt  }
0x53: {  	_ =	shalt  }
0x54: {  	_ =	shalt  }
0x55: {  	_ =	shalt  }
0x56: {  	_ =	shalt  }
0x57: {  	_ =	shalt  }
0x58: {  	_ =	shalt  }
0x59: {  	_ =	shalt  }
0x5a: {  	_ =	shalt  }
0x5b: {  	_ =	shalt  }
0x5c: {  	_ =	shalt  }
0x5d: {  	_ =	shalt  }
0x5e: {  	_ =	shalt  }
0x5f: {  	_ =	shalt  }
0x60: {  	_ =	shalt  }
0x61: {  	_ =	shalt  }
0x62: {  	_ =	shalt  }
0x63: {  	_ =	shalt  }
0x64: {  	_ =	shalt  }
0x65: {  	_ =	shalt  }
0x66: {  	_ =	shalt  }
0x67: {  	_ =	shalt  }
0x68: {  	_ =	shalt  }
0x69: {  	_ =	shalt  }
0x6a: {  	_ =	shalt  }
0x6b: {  	_ =	shalt  }
0x6c: {  	_ =	shalt  }
0x6d: {  	_ =	shalt  }
0x6e: {  	_ =	shalt  }
0x6f: {  	_ =	shalt  }
0x70: {  	_ =	shalt  }
0x71: {  	_ =	shalt  }
0x72: {  	_ =	shalt  }
0x73: {  	_ =	shalt  }
0x74: {  	_ =	shalt  }
0x75: {  	_ =	shalt  }
0x76: {  	_ =	shalt  }
0x77: {  	_ =	shalt  }
0x78: {  	_ =	shalt  }
0x79: {  	_ =	shalt  }
0x7a: {  	_ =	shalt  }
0x7b: {  	_ =	shalt  }
0x7c: {  	_ =	shalt  }
0x7d: {  	_ =	shalt  }
0x7e: {  	_ =	shalt  }
0x7f: {  	_ =	shalt  }
0x80: {  	_ =	shalt  }
0x81: {  	_ =	shalt  }
0x82: {  	_ =	shalt  }
0x83: {  	_ =	shalt  }
0x84: {  	_ =	shalt  }
0x85: {  	_ =	shalt  }
0x86: {  	_ =	shalt  }
0x87: {  	_ =	shalt  }
.Lfunc_end0:
.L_simem_size_0:
called_computation.1_lowered:
.L_overlay_start_0:
0x88: {  	s2 =	sld [smem:$0x3FD9]  }
0x89: {  	s3 =	sld [smem:$0x3FFE];
	_ =	sdelay $0x1  }
0x8a: {  	s1 =	srdreg.scid  }
0x8b: {  	s0 =	sand.u32 $0x1, s1  }
0x8c: {  	s17 =	sshll.u32 s0, $0xA;
	s2 =	sadd.s32 s3, s2  }
0x8d: {  	s2 =	sadd.s32 s2, s17  }
0x8e: {  	[smem:$0x3FC4] =	sst s2  }
0x8f: {  	_ = 	snop  }
0x90: {  	s2 =	sld [smem:$0x3FD0];
	(tm) =	ssettm $0x1  }
0x91: {  	s18 =	sld [smem:$0x3FFB];
	_ =	sdelay $0x3  }
0x92: {  	_ =	strace s18  }
0x93: {  	s3 =	sld [smem:$0x3FFC];
	_ =	sdelay $0x3  }
0x94: {  	_ =	strace s3  }
0x95: {  	s3 =	sld [smem:$0x3FFD];
	_ =	sdelay $0x3  }
0x96: {  	_ =	strace s3  }
0x97: {  	_ =	strace $0x8FFFFFFF  }
0x98: {  	s19 =	sld [smem:$0x3FDB];
	_ =	sdelay $0x1  }
0x99: {  	s4 =	simm.s32 $_scs_section_size  }
0x9a: {  	s5 =	simm.s32 $_size__tile_overlayer_lowered;
	s6 =	simm.s32 $_tile_overlayer_lowered  }
0x9b: {  	s22 =	simm.s32 $0x1BFF;
	s21 =	sshll.u32 s6, $0x1;
	s3 =	sadd.s32 s4, s19  }
0x9c: {  	s7 =	simm.s32 $0x0;
	s20 =	sshll.u32 s5, $0x1;
	s5 =	sadd.s32 s21, s3  }
0x9d: {  	[timem:s7], [sflag:s22] =	dma.local [hbm:s5], s20  }
0x9e: {  	_ =	swait.ge [sflag:s22], s20  }
0x9f: {  	s4 =	ssub.s32 $0x0, s20;
	[sflag:s22] =	ssyncset.done $0x0  }
0xa0: {  	[sflag:s22] =	ssyncadd.s32 s4;
	_ =	sdelay $0x1  }
0xa1: {  	s23 =	simm.s32 $0x1B8B  }
0xa2: {  	_ =	swait.ge [sflag:s23], $0x1  }
0xa3: {  	[sflag:s23] =	ssyncset.done $0x0  }
0xa4: {  	s25 =	simm.s32 $0x1B8E;
	s24 =	sld [smem:$0x3FFE];
	[sflag:s23] =	ssyncadd.s32 $0xFFFFFFFF  }
0xa5: {  	s26 =	simm.s32 $execute0_lowered;
	[smem:$0x3FD2] =	sst s25  }
0xa6: {  	s5 =	sshll.u32 s26, $0x1;
	_ =	strace $0x80000046;
	[dreg:$0x1] =	wrdreg $0xFFFFFFFF  }
0xa7: {  	s28 =	simm.s32 $_size_execute0_lowered;
	s3 =	sadd.s32 s3, s5;
	[dreg:$0x0] =	wrdreg $0x0  }
0xa8: {  	s5 =	sshll.u32 s28, $0x1;
	[dreg:$0x2] =	wrdreg s3  }
0xa9: {  	[dreg:$0x3] =	wrdreg s5  }
0xaa: {  	[dreg:$0x4] =	wrdreg $0xC0  }
0xab: {  	_ =	task [dreg:s7], $0x5FFFF  }
0xac: {  	[dreg:$0x1] =	wrdreg $0xFFFFFFFF  }
0xad: {  	[dreg:$0x0] =	wrdreg $0x60  }
0xae: {  	[dreg:$0x2] =	wrdreg s24  }
0xaf: {  	[dreg:$0x3] =	wrdreg s2  }
0xb0: {  	[dreg:$0x4] =	wrdreg $0x9  }
0xb1: {  	_ =	task.clear_ibuf [dreg:s7], $0x5FFFF;
	_ =	strace $0x90000046  }
0xb2: {  	s29 =	simm.s32 $0x9;
	_ =	strace $0x80000048  }
0xb3: {  	_ =	swait.ge [sflag:s29], $0x1  }
0xb4: {  	[sflag:s29] =	ssyncadd.s32 $0xFFFFFFFF  }
0xb5: {  	_ =	strace $0x90000048  }
0xb6: {  	_ =	sfence  }
0xb7: {  	s30 =	sld [smem:$0x0];
	_ =	sdelay $0x2  }
0xb8: {  	s31 =	sshll.u32 s1, $0xD;
	s1 =	sshrl.u32 s1, $0x2  }
0xb9: {  	s3 =	sand.u32 $0x4000, s31;
	s1 =	sadd.s32 s1, s30  }
0xba: {  	s0 =	sor.u32 s3, s0;
	s1 =	sshll.u32 s1, $0x11  }
0xbb: {  	s0 =	sor.u32 s1, s0  }
0xbc: {  	s0 =	sadd.s32 $0x8F2B, s0  }
0xbd: {  	[sflag:s0] =	ssyncadd.remote.s32 $0x1  }
0xbe: {  	_ =	sfence.sel $0xFFFF  }
0xbf: {  	[dreg:$0x0] =	wrdreg $0xFFFFFFFF;
	(pc) =	sbr.abs _section_cstart, $3  }
0xc0: {  	[dreg:$0x1] =	wrdreg $0xFFFFFFFF  }
0xc1: {  	_ =	task.clear_ibuf [dreg:s7], $0x2FFFF;
	_ =	strace $0x9FFFFFFF  }
0xc2: {  	(tm) =	ssettm $0x7FFFFFFF  }
0xc3: {  	_ =	shalt  }
tec
execute0_lowered:
.L_overlay_start_1:
0x0: {  	(tag) =	ssettag $0x1  }
0x1: {  	s4 =	rddreg [dreg:$0x0]  }
0x2: {  	s1 =	rddreg [dreg:$0x1]  }
0x3: {  	s0 =	rddreg [dreg:$0x2]  }
0x4: {  	s3 =	simm.s32 $0x0;
	s5 =	srdreg.scid;
	s2 =	stileid.u32  }
0x5: {  	s9 =	simm.s32 $0x100;
	s10 =	simm.s32 $0x180;
	s11 =	simm.s32 $0x200  }
0x6: {  	s12 =	simm.s32 $0x4200;
	s13 =	simm.s32 $0x8200;
	s14 =	simm.s32 $0xC200  }
0x7: {  	s15 =	simm.s32 $0x1;
	s16 =	simm.s32 $0x0;
	[smem:$0x7FF] =	sst s3  }
0x8: {  	s5 =	sand.u32 $0x1, s5;
	s6 =	sshll.u32 s2, $0x7;
	s7 =	sshll.u32 s2, $0xE  }
0x9: {  	_ =	strace $0x80000047;
	s8 =	ssub.s32 $0x2, s5;
	s6 =	sadd.s32 s6, s4  }
0xa: {  	s7 =	sadd.s32 s7, s4;
	s31 =	sshll.u32 s5, $0x6;
	s5 =	sshll.u32 s5, $0xD  }
0xb: {  	s30 =	sshrl.u32 s8, $0x1;
	s5 =	sadd.s32 s5, s7;
	s6 =	sadd.s32 s31, s6  }
0xc: {  	s7 =	simm.s32 $0x2;
	s4 =	ssub.s32 s8, s30;
	s5 =	sadd.s32 $0x31E00, s5  }
0xd: {  	s6 =	sadd.s32 $0xE00, s6;
	s8 =	simm.s32 $0x80;
	s4 =	smax.u32 s4, $0x1  }
.LBB2_1:
0xe: {  	s17 =	sadd.s32 $0x0, s6  }
0xf: {  	[tilespmem:s3], [sflag:$0x2] =	stream.linear.gather [hbm4b:s17+s3], $0x80, $0x38;
	[tilespmem:$0x10200] =	vst v63  }
0x10: {  	_ =	swait.ge [sflag:s7], $0x80  }
0x11: {  	[sflag:s7] =	ssyncset.done $0x0  }
0x12: {  	s18 =	sadd.s32 $0x10, s17;
	[sflag:s7] =	ssyncadd.s32 $0xFFFFFF80  }
0x13: {  	[tilespmem:s8], [sflag:$0x2] =	stream.linear.gather [hbm4b:s18+s3], $0x80, $0x38;
	[tilespmem:$0x10200] =	vst v63  }
0x14: {  	_ =	swait.ge [sflag:s7], $0x80  }
0x15: {  	[sflag:s7] =	ssyncset.done $0x0  }
0x16: {  	s31 =	sadd.s32 $0x20, s17;
	[sflag:s7] =	ssyncadd.s32 $0xFFFFFF80  }
0x17: {  	[tilespmem:s9], [sflag:$0x2] =	stream.linear.gather [hbm4b:s31+s3], $0x80, $0x38;
	[tilespmem:$0x10200] =	vst v63  }
0x18: {  	_ =	swait.ge [sflag:s7], $0x80  }
0x19: {  	[sflag:s7] =	ssyncset.done $0x0  }
0x1a: {  	s17 =	sadd.s32 $0x30, s17;
	[sflag:s7] =	ssyncadd.s32 $0xFFFFFF80  }
0x1b: {  	[tilespmem:s10], [sflag:$0x2] =	stream.linear.gather [hbm4b:s17+s3], $0x80, $0x38;
	[tilespmem:$0x10200] =	vst v63  }
0x1c: {  	_ =	swait.ge [sflag:s7], $0x80  }
0x1d: {  	[sflag:s7] =	ssyncset.done $0x0  }
0x1e: {  	[sflag:s7] =	ssyncadd.s32 $0xFFFFFF80  }
0x1f: {  	[tilespmem:s11], [sflag:$0x1] =	stream.indirect.gather [hbm4b:s1+s8], $0x80, s3, s8, $0xb8;
	[tilespmem:$0x10200] =	vst v63  }
0x20: {  	_ = 	snop  }
0x21: {  	[tilespmem:s12], [sflag:$0x1] =	stream.indirect.gather [hbm4b:s1+s8], $0x80, s8, s8, $0xb8;
	[tilespmem:$0x10200] =	vst v63  }
0x22: {  	_ = 	snop  }
0x23: {  	[tilespmem:s13], [sflag:$0x1] =	stream.indirect.gather [hbm4b:s1+s8], $0x80, s9, s8, $0xb8;
	[tilespmem:$0x10200] =	vst v63  }
0x24: {  	_ = 	snop  }
0x25: {  	[tilespmem:s14], [sflag:$0x1] =	stream.indirect.gather [hbm4b:s1+s8], $0x80, s10, s8, $0xb8;
	[tilespmem:$0x10200] =	vst v63  }
0x26: {  	_ =	swait.ge [sflag:s15], $0x4000  }
0x27: {  	[sflag:s15] =	ssyncset.done $0x0  }
0x28: {  	[sflag:s15] =	ssyncadd.s32 $0xFFFFC000  }
0x29: {  	_ =	swait.ge [sflag:s15], $0x4000  }
0x2a: {  	[sflag:s15] =	ssyncset.done $0x0  }
0x2b: {  	[sflag:s15] =	ssyncadd.s32 $0xFFFFC000  }
0x2c: {  	_ =	swait.ge [sflag:s15], $0x4000  }
0x2d: {  	[sflag:s15] =	ssyncset.done $0x0  }
0x2e: {  	[sflag:s15] =	ssyncadd.s32 $0xFFFFC000  }
0x2f: {  	_ =	swait.ge [sflag:s15], $0x4000  }
0x30: {  	[sflag:s15] =	ssyncset.done $0x0  }
0x31: {  	[sflag:s15] =	ssyncadd.s32 $0xFFFFC000  }
0x32: {  	[hbm4b:s5+s3] =	stream.linear.scatter [tilespmem:s11], [sflag:$0x2], $0x10000, $0x38;
	[tilespmem:$0x10200] =	vst v63  }
0x33: {  	s20 =	simm.s32 $0x1000;
	_ =	swait.ge [sflag:s7], $0x10000  }
0x34: {  	s18 =	simm.s32 $0x800;
	s17 =	sadd.s32 $0x40000, s5;
	[sflag:s7] =	ssyncset.done $0x0  }
.LBB2_2:
0x35: {  	s21 =	sadd.s32 s18, s6  }
0x36: {  	[sflag:s7] =	ssyncadd.s32 $0xFFFF0000;
	s18 =	smov.u32 s20;
	s19 =	sadd.s32 $0x800, s20  }
0x37: {  	[tilespmem:s3], [sflag:$0x2] =	stream.linear.gather [hbm4b:s21+s3], $0x80, $0x38;
	[tilespmem:$0x10200] =	vst v63  }
0x38: {  	p0 =	sne.s32 s20, $0x30800;
	_ =	swait.ge [sflag:s7], $0x80  }
0x39: {  	[sflag:s7] =	ssyncset.done $0x0  }
0x3a: {  	s20 =	sadd.s32 $0x10, s21;
	[sflag:s7] =	ssyncadd.s32 $0xFFFFFF80  }
0x3b: {  	[tilespmem:s8], [sflag:$0x2] =	stream.linear.gather [hbm4b:s20+s3], $0x80, $0x38;
	[tilespmem:$0x10200] =	vst v63  }
0x3c: {  	_ =	swait.ge [sflag:s7], $0x80  }
0x3d: {  	[sflag:s7] =	ssyncset.done $0x0  }
0x3e: {  	s20 =	sadd.s32 $0x20, s21;
	[sflag:s7] =	ssyncadd.s32 $0xFFFFFF80  }
0x3f: {  	[tilespmem:s9], [sflag:$0x2] =	stream.linear.gather [hbm4b:s20+s3], $0x80, $0x38;
	[tilespmem:$0x10200] =	vst v63  }
0x40: {  	_ =	swait.ge [sflag:s7], $0x80  }
0x41: {  	[sflag:s7] =	ssyncset.done $0x0  }
0x42: {  	s20 =	sadd.s32 $0x30, s21;
	[sflag:s7] =	ssyncadd.s32 $0xFFFFFF80  }
0x43: {  	[tilespmem:s10], [sflag:$0x2] =	stream.linear.gather [hbm4b:s20+s3], $0x80, $0x38;
	[tilespmem:$0x10200] =	vst v63  }
0x44: {  	_ =	swait.ge [sflag:s7], $0x80  }
0x45: {  	[sflag:s7] =	ssyncset.done $0x0  }
0x46: {  	[sflag:s7] =	ssyncadd.s32 $0xFFFFFF80  }
0x47: {  	[tilespmem:s11], [sflag:$0x1] =	stream.indirect.gather [hbm4b:s1+s8], $0x80, s3, s8, $0xb8;
	[tilespmem:$0x10200] =	vst v63  }
0x48: {  	_ = 	snop  }
0x49: {  	[tilespmem:s12], [sflag:$0x1] =	stream.indirect.gather [hbm4b:s1+s8], $0x80, s8, s8, $0xb8;
	[tilespmem:$0x10200] =	vst v63  }
0x4a: {  	_ = 	snop  }
0x4b: {  	[tilespmem:s13], [sflag:$0x1] =	stream.indirect.gather [hbm4b:s1+s8], $0x80, s9, s8, $0xb8;
	[tilespmem:$0x10200] =	vst v63  }
0x4c: {  	_ = 	snop  }
0x4d: {  	[tilespmem:s14], [sflag:$0x1] =	stream.indirect.gather [hbm4b:s1+s8], $0x80, s10, s8, $0xb8;
	[tilespmem:$0x10200] =	vst v63  }
0x4e: {  	_ =	swait.ge [sflag:s15], $0x4000  }
0x4f: {  	[sflag:s15] =	ssyncset.done $0x0  }
0x50: {  	[sflag:s15] =	ssyncadd.s32 $0xFFFFC000  }
0x51: {  	_ =	swait.ge [sflag:s15], $0x4000  }
0x52: {  	[sflag:s15] =	ssyncset.done $0x0  }
0x53: {  	[sflag:s15] =	ssyncadd.s32 $0xFFFFC000  }
0x54: {  	_ =	swait.ge [sflag:s15], $0x4000  }
0x55: {  	[sflag:s15] =	ssyncset.done $0x0  }
0x56: {  	[sflag:s15] =	ssyncadd.s32 $0xFFFFC000  }
0x57: {  	_ =	swait.ge [sflag:s15], $0x4000  }
.Ltmp0:
0x58: {  	[sflag:s15] =	ssyncset.done $0x0;
	(pc) =	sbr.rel @p0 .LBB2_2-.Ltmp0, $4  }
0x59: {  	[sflag:s15] =	ssyncadd.s32 $0xFFFFC000  }
0x5a: {  	[hbm4b:s17+s3] =	stream.linear.scatter [tilespmem:s11], [sflag:$0x2], $0x10000, $0x38;
	[tilespmem:$0x10200] =	vst v63  }
0x5b: {  	_ =	swait.ge [sflag:s7], $0x10000  }
0x5c: {  	s20 =	smov.u32 s19;
	s17 =	sadd.s32 $0x40000, s17;
	[sflag:s7] =	ssyncset.done $0x0  }
0x5d: {  	s18 =	sadd.s32 s18, s6;
	[sflag:s7] =	ssyncadd.s32 $0xFFFF0000  }
0x5e: {  	[tilespmem:s3], [sflag:$0x2] =	stream.linear.gather [hbm4b:s18+s3], $0x80, $0x38;
	[tilespmem:$0x10200] =	vst v63  }
0x5f: {  	_ =	swait.ge [sflag:s7], $0x80  }
0x60: {  	[sflag:s7] =	ssyncset.done $0x0  }
0x61: {  	s19 =	sadd.s32 $0x10, s18;
	[sflag:s7] =	ssyncadd.s32 $0xFFFFFF80  }
0x62: {  	[tilespmem:s8], [sflag:$0x2] =	stream.linear.gather [hbm4b:s19+s3], $0x80, $0x38;
	[tilespmem:$0x10200] =	vst v63  }
0x63: {  	_ =	swait.ge [sflag:s7], $0x80  }
0x64: {  	[sflag:s7] =	ssyncset.done $0x0  }
0x65: {  	s31 =	sadd.s32 $0x20, s18;
	[sflag:s7] =	ssyncadd.s32 $0xFFFFFF80  }
0x66: {  	[tilespmem:s9], [sflag:$0x2] =	stream.linear.gather [hbm4b:s31+s3], $0x80, $0x38;
	[tilespmem:$0x10200] =	vst v63  }
0x67: {  	_ =	swait.ge [sflag:s7], $0x80  }
0x68: {  	[sflag:s7] =	ssyncset.done $0x0  }
0x69: {  	s18 =	sadd.s32 $0x30, s18;
	[sflag:s7] =	ssyncadd.s32 $0xFFFFFF80  }
0x6a: {  	[tilespmem:s10], [sflag:$0x2] =	stream.linear.gather [hbm4b:s18+s3], $0x80, $0x38;
	[tilespmem:$0x10200] =	vst v63  }
0x6b: {  	_ =	swait.ge [sflag:s7], $0x80  }
0x6c: {  	[sflag:s7] =	ssyncset.done $0x0  }
0x6d: {  	[sflag:s7] =	ssyncadd.s32 $0xFFFFFF80  }
0x6e: {  	[tilespmem:s11], [sflag:$0x1] =	stream.indirect.gather [hbm4b:s1+s8], $0x80, s3, s8, $0xb8;
	[tilespmem:$0x10200] =	vst v63  }
0x6f: {  	_ = 	snop  }
0x70: {  	[tilespmem:s12], [sflag:$0x1] =	stream.indirect.gather [hbm4b:s1+s8], $0x80, s8, s8, $0xb8;
	[tilespmem:$0x10200] =	vst v63  }
0x71: {  	_ = 	snop  }
0x72: {  	[tilespmem:s13], [sflag:$0x1] =	stream.indirect.gather [hbm4b:s1+s8], $0x80, s9, s8, $0xb8;
	[tilespmem:$0x10200] =	vst v63  }
0x73: {  	_ = 	snop  }
0x74: {  	[tilespmem:s14], [sflag:$0x1] =	stream.indirect.gather [hbm4b:s1+s8], $0x80, s10, s8, $0xb8;
	[tilespmem:$0x10200] =	vst v63  }
0x75: {  	_ =	swait.ge [sflag:s15], $0x4000  }
0x76: {  	[sflag:s15] =	ssyncset.done $0x0  }
0x77: {  	[sflag:s15] =	ssyncadd.s32 $0xFFFFC000  }
0x78: {  	_ =	swait.ge [sflag:s15], $0x4000  }
0x79: {  	[sflag:s15] =	ssyncset.done $0x0  }
0x7a: {  	[sflag:s15] =	ssyncadd.s32 $0xFFFFC000  }
0x7b: {  	_ =	swait.ge [sflag:s15], $0x4000  }
0x7c: {  	[sflag:s15] =	ssyncset.done $0x0  }
0x7d: {  	[sflag:s15] =	ssyncadd.s32 $0xFFFFC000  }
0x7e: {  	s16 =	sadd.s32 $0x1, s16;
	_ =	swait.ge [sflag:s15], $0x4000  }
0x7f: {  	p0 =	sne.s32 s16, s4;
	[sflag:s15] =	ssyncset.done $0x0  }
.Ltmp1:
0x80: {  	[sflag:s15] =	ssyncadd.s32 $0xFFFFC000;
	(pc) =	sbr.rel @p0 .LBB2_1-.Ltmp1, $4  }
0x81: {  	[hbm4b:s17+s3] =	stream.linear.scatter [tilespmem:s11], [sflag:$0x2], $0x10000, $0x38;
	[tilespmem:$0x10200] =	vst v63  }
0x82: {  	_ =	swait.ge [sflag:s7], $0x10000  }
0x83: {  	[sflag:s7] =	ssyncset.done $0x0  }
0x84: {  	[sflag:s7] =	ssyncadd.s32 $0xFFFF0000  }
0x85: {  	_ =	sfence.sel $0x180000  }
0x86: {  	[bflag:$0x0] =	sbarrier.arrive $0xFFFF  }
0x87: {  	p0 =	sne.s32 s2, $0x0;
	_ =	strace $0x90000047  }
0x88: {  	s0 =	sadd.s32 @!p0 $0x100000, s0;
	[bflag:$0x2] =	sbarrier.arrive $0xFFFF  }
0x89: {  	[sflag:s0] =	ssyncadd.tile.s32 @!p0 $0x1;
	_ =	shalt  }
.Lfunc_end2:
_tile_overlayer_lowered:
.L_overlay_start_2:
0x8a: {  	(tag) =	ssettag $0x2  }
0x8b: {  	s0 =	rddreg [dreg:$0x0];
	s2 =	stileid.u32  }
0x8c: {  	s1 =	rddreg [dreg:$0x1];
	p0 =	sne.s32 s2, $0x0  }
0x8d: {  	s3 =	rddreg [dreg:$0x2];
	[bflag:$0x3] =	sbarrier.arrive $0xFFFF;
	s2 =	simm.s32 @!p0 $0x1C02  }
0x8e: {  	[timem:s3], [sflag:s2] =	dma.local @!p0 [hbm:s0], s1  }
0x8f: {  	s0 =	simm.s32 @!p0 $0x2  }
0x90: {  	_ =	swait.ge @!p0 [sflag:s0], s1  }
0x91: {  	s1 =	ssub.s32 @!p0 $0x0, s1;
	[sflag:s0] =	ssyncset.done @!p0 $0x0  }
0x92: {  	[sflag:s0] =	ssyncadd.s32 @!p0 s1  }
0x93: {  	[bflag:$0x3] =	sbarrier.arrive $0xFFFF  }
0x94: {  	_ =	shalt  }

// kernel: sparse-core-data-format-call.cloned.1.call-start
scs
called_computation_lowered:
.L_overlay_start_0:
0x0: {  	s2 =	sld [smem:$0x3FD9]  }
0x1: {  	s3 =	sld [smem:$0x3FFE];
	_ =	sdelay $0x1  }
0x2: {  	s1 =	srdreg.scid  }
0x3: {  	s0 =	sand.u32 $0x1, s1  }
0x4: {  	s18 =	sshll.u32 s0, $0xA;
	s2 =	sadd.s32 s3, s2  }
0x5: {  	s2 =	sadd.s32 s2, s18  }
0x6: {  	[smem:$0x3FC4] =	sst s2  }
0x7: {  	_ = 	snop  }
0x8: {  	s2 =	sld [smem:$0x3FD0];
	(tm) =	ssettm $0x1  }
0x9: {  	s19 =	sld [smem:$0x3FFB];
	_ =	sdelay $0x3  }
0xa: {  	_ =	strace s19  }
0xb: {  	s3 =	sld [smem:$0x3FFC];
	_ =	sdelay $0x3  }
0xc: {  	_ =	strace s3  }
0xd: {  	s3 =	sld [smem:$0x3FFD];
	_ =	sdelay $0x3  }
0xe: {  	_ =	strace s3  }
0xf: {  	_ =	strace $0x8FFFFFFF  }
0x10: {  	s20 =	sld [smem:$0x3FDB];
	_ =	sdelay $0x1  }
0x11: {  	s4 =	simm.s32 $_scs_section_size  }
0x12: {  	s5 =	simm.s32 $_size__tile_overlayer_lowered;
	s6 =	simm.s32 $_tile_overlayer_lowered  }
0x13: {  	s23 =	simm.s32 $0x1BFF;
	s22 =	sshll.u32 s6, $0x1;
	s3 =	sadd.s32 s4, s20  }
0x14: {  	s7 =	simm.s32 $0x0;
	s21 =	sshll.u32 s5, $0x1;
	s5 =	sadd.s32 s22, s3  }
0x15: {  	[timem:s7], [sflag:s23] =	dma.local [hbm:s5], s21  }
0x16: {  	_ =	swait.ge [sflag:s23], s21  }
0x17: {  	s4 =	ssub.s32 $0x0, s21;
	[sflag:s23] =	ssyncset.done $0x0  }
0x18: {  	[sflag:s23] =	ssyncadd.s32 s4;
	_ =	sdelay $0x1  }
0x19: {  	s24 =	simm.s32 $0x1B8B  }
0x1a: {  	_ =	swait.ge [sflag:s24], $0x1  }
0x1b: {  	[sflag:s24] =	ssyncset.done $0x0  }
0x1c: {  	s26 =	simm.s32 $0x1B8E;
	s25 =	sld [smem:$0x3FFE];
	[sflag:s24] =	ssyncadd.s32 $0xFFFFFFFF  }
0x1d: {  	s27 =	simm.s32 $execute0_lowered;
	[smem:$0x3FD2] =	sst s26  }
0x1e: {  	s5 =	sshll.u32 s27, $0x1;
	_ =	strace $0x80000049;
	[dreg:$0x1] =	wrdreg $0xFFFFFFFF  }
0x1f: {  	s28 =	simm.s32 $_size_execute0_lowered;
	s3 =	sadd.s32 s3, s5;
	[dreg:$0x0] =	wrdreg $0x0  }
0x20: {  	s5 =	sshll.u32 s28, $0x1;
	[dreg:$0x2] =	wrdreg s3  }
0x21: {  	[dreg:$0x3] =	wrdreg s5  }
0x22: {  	[dreg:$0x4] =	wrdreg $0xC0  }
0x23: {  	_ =	task [dreg:s7], $0x5FFFF  }
0x24: {  	[dreg:$0x1] =	wrdreg $0xFFFFFFFF  }
0x25: {  	[dreg:$0x0] =	wrdreg $0x60  }
0x26: {  	[dreg:$0x2] =	wrdreg s25  }
0x27: {  	[dreg:$0x3] =	wrdreg s2  }
0x28: {  	[dreg:$0x4] =	wrdreg $0x9  }
0x29: {  	_ =	task.clear_ibuf [dreg:s7], $0x5FFFF;
	_ =	strace $0x90000049  }
0x2a: {  	s29 =	simm.s32 $0x9;
	_ =	strace $0x8000004B  }
0x2b: {  	_ =	swait.ge [sflag:s29], $0x1  }
0x2c: {  	[sflag:s29] =	ssyncadd.s32 $0xFFFFFFFF  }
0x2d: {  	_ =	strace $0x9000004B  }
0x2e: {  	_ =	sfence  }
0x2f: {  	s30 =	sld [smem:$0x0];
	_ =	sdelay $0x2  }
0x30: {  	s31 =	sshll.u32 s1, $0xD;
	s1 =	sshrl.u32 s1, $0x2  }
0x31: {  	s3 =	sand.u32 $0x4000, s31;
	s1 =	sadd.s32 s1, s30  }
0x32: {  	s0 =	sor.u32 s3, s0;
	s1 =	sshll.u32 s1, $0x11  }
0x33: {  	s0 =	sor.u32 s1, s0  }
0x34: {  	s0 =	sadd.s32 $0x8F2B, s0  }
0x35: {  	[sflag:s0] =	ssyncadd.remote.s32 $0x1  }
0x36: {  	_ =	sfence.sel $0xFFFF  }
0x37: {  	[dreg:$0x0] =	wrdreg $0xFFFFFFFF;
	(pc) =	sbr.abs _section_cstart, $3  }
0x38: {  	[dreg:$0x1] =	wrdreg $0xFFFFFFFF  }
0x39: {  	_ =	task.clear_ibuf [dreg:s7], $0x2FFFF;
	_ =	strace $0x9FFFFFFF  }
0x3a: {  	(tm) =	ssettm $0x7FFFFFFF  }
0x3b: {  	_ =	shalt  }
tec
execute0_lowered:
.L_overlay_start_1:
0x0: {  	(tag) =	ssettag $0x1  }
0x1: {  	s0 =	srdreg.scid  }
0x2: {  	s1 =	sshll.u32 s0, $0x4  }
0x3: {  	s4 =	rddreg [dreg:$0x0];
	s0 =	stileid.u32;
	s1 =	sand.u32 $0x10, s1  }
0x4: {  	s2 =	rddreg [dreg:$0x1];
	s7 =	simm.s32 $0x1;
	s1 =	sor.u32 s0, s1  }
0x5: {  	s8 =	simm.s32 $0x2;
	s11 =	simm.s32 $0x0;
	s3 =	sshll.u32 s1, $0x7  }
0x6: {  	s10 =	simm.s32 $0x0;
	s4 =	sadd.s32 $0x18B1E00, s4;
	s6 =	ssub.s32 $0x4E200, s3  }
.Ltmp0:
0x7: {  	s1 =	rddreg [dreg:$0x2];
	s5 =	sand.u32 $0xF80, s6;
	(pc) =	sbr.rel .LBB1_1-.Ltmp0, $4  }
0x8: {  	_ =	strace $0x8000004A;
	s9 =	smov.u32 s3;
	p0 =	sne.s32 s5, $0x0  }
0x9: {  	s6 =	sshrl.u32 s6, $0xC;
	s5 =	simm.s32 $0x1;
	s7 =	simm.s32 @!p0 $0x0  }
0xa: {  	[sflag:s5] =	ssyncpa.u1 $0x0;
	p0 =	por $0x0, $0x0;
	s6 =	sadd.s32 s7, s6  }
0xb: {  	[sflag:s8] =	ssyncpa.u1 $0x0;
	s8 =	simm.s32 $0x4E200;
	s7 =	sadd.s32 $0x1, s6  }
.LBB1_4:
0xc: {  	v5 =	vld [tilespmem:s15+$0xFFFFFFD0];
	[tilespmem:s14+$0x2040 ss:$0x81] =	vst.msk $0xffff, v1  }
0xd: {  	v58 =	vld [tilespmem:s15+$0xFFFFFFE0];
	[tilespmem:s14+$0x2850 ss:$0x81] =	vst.msk $0xffff, v3  }
0xe: {  	s16 =	sshra.s32 s16, $0x2;
	v59 =	vld [tilespmem:s15+$0xFFFFFFF0];
	[tilespmem:s14+$0x3060 ss:$0x81] =	vst.msk $0xffff, v4  }
0xf: {  	v60 =	vld [tilespmem:s15+$0x0];
	[tilespmem:s14+$0x0 ss:$0x81] =	vst.msk $0xffff, v0;
	s29 =	smulhi.u32 $0xD1B71759, s11;
	s13 =	sadd.s32 s16, s13  }
0x10: {  	v61 =	vld [tilespmem:s15+$0x10];
	[tilespmem:s13+$0x3870 ss:$0x81] =	vst.msk $0xffff, v2  }
0x11: {  	v62 =	vld [tilespmem:s15+$0x20];
	s14 =	sshrl.u32 s29, $0x12;
	[tilespmem:s13+$0x810 ss:$0x81] =	vst.msk $0xffff, v5  }
0x12: {  	v63 =	vld [tilespmem:s15+$0xFFFFFFC0];
	s14 =	smul.u32 $0x4E200, s14;
	[tilespmem:s13+$0x1020 ss:$0x81] =	vst.msk $0xffff, v58  }
0x13: {  	[tilespmem:s13+$0x1830 ss:$0x81] =	vst.msk $0xffff, v59  }
0x14: {  	[tilespmem:s13+$0x2040 ss:$0x81] =	vst.msk $0xffff, v60;
	s30 =	ssub.s32 s11, s14  }
0x15: {  	[tilespmem:s13+$0x2850 ss:$0x81] =	vst.msk $0xffff, v61;
	s14 =	sand.u32 $0x7, s30  }
0x16: {  	[tilespmem:s13+$0x3060 ss:$0x81] =	vst.msk $0xffff, v62;
	s11 =	sshrl.u32 s30, $0x3;
	s14 =	sshll.u32 s14, $0x12  }
0x17: {  	[tilespmem:s13+$0x0 ss:$0x81] =	vst.msk $0xffff, v63;
	s11 =	sadd.s32 s2, s11;
	s31 =	sor.u32 $0x80, s14  }
0x18: {  	[hbm4b:s11+s31] =	stream.strided.scatter [tilespmem:s12], [sflag:$0x2], $0x4000, s8, s31, $0x20;
	[tilespmem:$0x10100] =	vst v63  }
.LBB1_5:
0x19: {  	s13 =	sadd.s32 $0x1000, s9  }
0x1a: {  	p2 =	sgt.s32 s13, $0x4E1FF  }
0x1b: {  	s13 =	smov.u32 @p2 s3;
	p2 =	sne.s32 s10, s7  }
.Ltmp1:
0x1c: {  	p1 =	slt.u32 s10, $0x2;
	(pc) =	sbr.rel @!p2 .LBB1_6-.Ltmp1, $4  }
0x1d: {  	s12 =	simm.s32 @!p1 $0x2  }
0x1e: {  	s14 =	sadd.s32 $0x1, s10;
	_ =	swait.ge @!p1 [sflag:s12], $0x4000  }
0x1f: {  	s11 =	smov.u32 s9;
	p0 =	por !p0, !p0;
	[sflag:s12] =	ssyncset.done @!p1 $0x0  }
0x20: {  	s10 =	smov.u32 s14;
	s9 =	smov.u32 s13;
	[sflag:s12] =	ssyncadd.s32 @!p1 $0xFFFFC000  }
.LBB1_1:
0x21: {  	p1 =	sge.u32 s10, s6  }
0x22: {  	s12 =	sand.u32 @!p1 $0x1FFFFFF, s9  }
0x23: {  	s13 =	smulhi.u32 @!p1 $0x1A36E2F, s12;
	_ =	sdelay $0x1  }
0x24: {  	s13 =	sshrl.u32 @!p1 s13, $0xB  }
0x25: {  	s13 =	smul.u32 @!p1 $0x4E200, s13;
	_ =	sdelay $0x1  }
0x26: {  	s14 =	sxor.u32 @!p1 $0xFFFFFFFF, s10;
	s12 =	ssub.s32 @!p1 s12, s13  }
0x27: {  	s31 =	sadd.s32 $0xFFFFFFFF, s10;
	s13 =	sshll.u32 @!p1 s14, $0xE;
	s12 =	sshll.u32 @!p1 s12, $0x4  }
0x28: {  	s14 =	simm.s32 @!p1 $0x0;
	s13 =	sand.u32 @!p1 $0x4000, s13;
	s12 =	sadd.s32 @!p1 s4, s12  }
0x29: {  	[tilespmem:s13], [sflag:$0x1] =	stream.linear.gather @!p1 [hbm4b:s12+s14], $0x4000, $0x38;
	[tilespmem:$0x10100] =	vst v63  }
0x2a: {  	p1 =	sge.u32 s31, s6  }
.Ltmp2:
0x2b: {  	_ = 	snop;
	(pc) =	sbr.rel @p1 .LBB1_5-.Ltmp2, $1  }
0x2c: {  	_ =	sdelay $0x3  }
0x2d: {  	s12 =	simm.s32 $0x1  }
0x2e: {  	_ =	swait.ge [sflag:s5], $0x4000;
	s12 =	simm.s32 @!p0 $0x0  }
0x2f: {  	[sflag:s5] =	ssyncset.done $0x0;
	s13 =	sshll.u32 s12, $0xE  }
0x30: {  	[sflag:s5] =	ssyncadd.s32 $0xFFFFC000;
	s15 =	sor.u32 $0x40, s13  }
0x31: {  	s12 =	smul.u32 $0x10200, s12;
	v0 =	vld [tilespmem:s15+$0x30]  }
0x32: {  	v2 =	vld [tilespmem:s15+$0xFFFFFFD0]  }
0x33: {  	s12 =	sshrl.u32 s12, $0x2;
	v5 =	vld [tilespmem:s15+$0xFFFFFFE0]  }
0x34: {  	v6 =	vld [tilespmem:s15+$0xFFFFFFF0];
	s13 =	sor.u32 $0x8000, s12  }
0x35: {  	s31 =	sand.u32 $0x1, s10;
	v1 =	vld [tilespmem:s15+$0x0];
	s14 =	sadd.s32 $0x0, s13  }
0x36: {  	v3 =	vld [tilespmem:s15+$0x10];
	s12 =	smul.u32 $0x10200, s31;
	[tilespmem:s14+$0x3870 ss:$0x81] =	vst.msk $0xffff, v0  }
0x37: {  	v4 =	vld [tilespmem:s15+$0x20];
	[tilespmem:s14+$0x810 ss:$0x81] =	vst.msk $0xffff, v2  }
0x38: {  	s12 =	sshrl.u32 s12, $0x2;
	v0 =	vld [tilespmem:s15+$0xFFFFFFC0];
	[tilespmem:s14+$0x1020 ss:$0x81] =	vst.msk $0xffff, v5;
	s15 =	sadd.s32 $0x80, s15  }
0x39: {  	s16 =	simm.s32 $0x4;
	s17 =	simm.s32 $0x8;
	s12 =	sor.u32 $0x8000, s12;
	[tilespmem:s14+$0x1830 ss:$0x81] =	vst.msk $0xffff, v6;
	v2 =	vld [tilespmem:s15+$0x30]  }
.LBB1_3:
0x3a: {  	p1 =	sne.s32 s17, $0x1FC;
	v5 =	vld [tilespmem:s15+$0xFFFFFFD0];
	[tilespmem:s14+$0x2040 ss:$0x81] =	vst.msk $0xffff, v1  }
0x3b: {  	v6 =	vld [tilespmem:s15+$0xFFFFFFE0];
	[tilespmem:s14+$0x2850 ss:$0x81] =	vst.msk $0xffff, v3  }
0x3c: {  	s18 =	sshra.s32 s16, $0x2;
	s16 =	smov.u32 s17;
	v7 =	vld [tilespmem:s15+$0xFFFFFFF0];
	[tilespmem:s14+$0x3060 ss:$0x81] =	vst.msk $0xffff, v4  }
.Ltmp3:
0x3d: {  	v1 =	vld [tilespmem:s15+$0x0];
	[tilespmem:s14+$0x0 ss:$0x81] =	vst.msk $0xffff, v0;
	s14 =	sadd.s32 s18, s13;
	(pc) =	sbr.rel @p1 .LBB1_3-.Ltmp3, $4  }
0x3e: {  	v3 =	vld [tilespmem:s15+$0x10];
	[tilespmem:s14+$0x3870 ss:$0x81] =	vst.msk $0xffff, v2  }
0x3f: {  	[tilespmem:s14+$0x810 ss:$0x81] =	vst.msk $0xffff, v5;
	v4 =	vld [tilespmem:s15+$0x20]  }
0x40: {  	v0 =	vld [tilespmem:s15+$0xFFFFFFC0];
	[tilespmem:s14+$0x1020 ss:$0x81] =	vst.msk $0xffff, v6;
	s15 =	sadd.s32 $0x80, s15  }
0x41: {  	s17 =	sadd.s32 $0x4, s17;
	v2 =	vld [tilespmem:s15+$0x30];
	[tilespmem:s14+$0x1830 ss:$0x81] =	vst.msk $0xffff, v7  }
.Ltmp4:
0x42: {  	_ = 	snop;
	(pc) =	sbr.rel .LBB1_4-.Ltmp4, $1  }
0x43: {  	_ =	sdelay $0x3  }
.LBB1_6:
0x44: {  	_ =	sfence.sel $0x180000  }
0x45: {  	s2 =	simm.s32 $0x1;
	[bflag:$0x0] =	sbarrier.arrive $0xFFFF  }
0x46: {  	s31 =	simm.s32 $0x2;
	[sflag:s2] =	ssyncpa.u1 $0x1  }
0x47: {  	[sflag:s31] =	ssyncpa.u1 $0x1  }
0x48: {  	p0 =	sne.s32 s0, $0x0;
	_ =	strace $0x9000004A  }
0x49: {  	s0 =	sadd.s32 @!p0 $0x100000, s1;
	[bflag:$0x2] =	sbarrier.arrive $0xFFFF  }
0x4a: {  	[sflag:s0] =	ssyncadd.tile.s32 @!p0 $0x1;
	_ =	shalt  }
.Lfunc_end1:
_tile_overlayer_lowered:
.L_overlay_start_2:
0x4b: {  	(tag) =	ssettag $0x2  }
0x4c: {  	s0 =	rddreg [dreg:$0x0];
	s2 =	stileid.u32  }
0x4d: {  	s1 =	rddreg [dreg:$0x1];
	p0 =	sne.s32 s2, $0x0  }
0x4e: {  	s3 =	rddreg [dreg:$0x2];
	[bflag:$0x3] =	sbarrier.arrive $0xFFFF;
	s2 =	simm.s32 @!p0 $0x1C01  }
0x4f: {  	[timem:s3], [sflag:s2] =	dma.local @!p0 [hbm:s0], s1  }
0x50: {  	s0 =	simm.s32 @!p0 $0x1  }
0x51: {  	_ =	swait.ge @!p0 [sflag:s0], s1  }
0x52: {  	s1 =	ssub.s32 @!p0 $0x0, s1;
	[sflag:s0] =	ssyncset.done @!p0 $0x0  }
0x53: {  	[sflag:s0] =	ssyncadd.s32 @!p0 s1  }
0x54: {  	[bflag:$0x3] =	sbarrier.arrive $0xFFFF  }
0x55: {  	_ =	shalt  }

</sc_bundles>
